<compile_context>
chip_gen: v7x
topology: tpu7x:2x2x1
jax: 0.10.2.dev20260603
libtpu: 0.0.44.dev20260713+nightly
codegen_flags: <defaults>
</compile_context>

<pallas_src>
import functools

import jax
import jax.numpy as jnp
from jax import lax
from jax.experimental import pallas as pl
from jax.experimental.pallas import tpu as pltpu
from jax.experimental.pallas import tpu_sc as plsc

_K = 500
_SLOTS = 4 * _K
_PAD = 2048
_PER_W = _PAD // 16
_VECS = _PER_W // 16
_ROW = 128 * 128


def _sc_body(gidx_hbm, tgtp_hbm, table_hbm, out_hbm,
             gidx_v, tgt_v, vals_v, acc_v, out_v, red_v, shared_s,
             sem, sem2):
    sid = lax.axis_index("s")
    base = sid * _PER_W
    lane = lax.iota(jnp.int32, 16)

    @pl.when(sid == 0)
    def _init():
        red_v[...] = jnp.zeros((16,), jnp.float32)
        pltpu.sync_copy(red_v, shared_s)

    cp_t = pltpu.async_copy(tgtp_hbm.at[pl.ds(base, _PER_W)], tgt_v, sem2)
    pltpu.sync_copy(gidx_hbm.at[pl.ds(base, _PER_W)], gidx_v)
    cp_g = pltpu.async_copy(table_hbm.at[gidx_v], vals_v, sem)
    cp_t.wait()
    cp_g.wait()

    acc = jnp.zeros((16,), jnp.float32)
    for i in range(_VECS):
        v = vals_v[pl.ds(i * 16, 16)]
        t = tgt_v[pl.ds(i * 16, 16)]
        s = base + lane + i * 16
        acc = acc + jnp.where(s < _SLOTS, jnp.abs(v - t), 0.0)
    acc_v[...] = acc

    plsc.subcore_barrier()
    pltpu.sync_copy(acc_v, shared_s.at[lane], add=True)
    plsc.subcore_barrier()

    @pl.when(sid == 0)
    def _reduce():
        pltpu.sync_copy(shared_s, red_v)
        tot = red_v[...]
        t = jnp.float32(0.0)
        for l in range(16):
            t = t + tot[l]
        loss = t * jnp.float32(1.0 / (_K + 0.0001))
        out_v[...] = jnp.where(lane == 0, loss, 0.0)
        pltpu.sync_copy(out_v, out_hbm)


@jax.jit
def kernel(out_vector, target_vector, tgt_indexes):
    b, c, h, w = out_vector.shape
    table = out_vector.reshape(b * c * h * w)
    ind_jd = tgt_indexes.astype(jnp.int32).T.reshape(2 * _K)
    chan_off = jnp.tile(jnp.arange(2, dtype=jnp.int32) * _ROW, _K)
    g_half = ind_jd + chan_off
    gidx = jnp.concatenate(
        [g_half, g_half + 2 * _ROW,
         jnp.zeros((_PAD - _SLOTS,), jnp.int32)])
    tgtp = jnp.concatenate(
        [target_vector.reshape(_SLOTS),
         jnp.zeros((_PAD - _SLOTS,), jnp.float32)])

    run = functools.partial(
        pl.kernel,
        mesh=plsc.VectorSubcoreMesh(core_axis_name="c", subcore_axis_name="s",
                                    num_cores=1),
        out_type=jax.ShapeDtypeStruct((16,), jnp.float32),
        scratch_types=[
            pltpu.VMEM((_PER_W,), jnp.int32),
            pltpu.VMEM((_PER_W,), jnp.float32),
            pltpu.VMEM((_PER_W,), jnp.float32),
            pltpu.VMEM((16,), jnp.float32),
            pltpu.VMEM((16,), jnp.float32),
            pltpu.VMEM((16,), jnp.float32),
            pltpu.VMEM_SHARED((16,), jnp.float32),
            pltpu.SemaphoreType.DMA,
            pltpu.SemaphoreType.DMA,
        ],
    )(_sc_body)
    out = run(gidx, tgtp, table)
    return out[0]

# --- scband reference (transcript-rebuilt; emitter-appended) ---
"""Pipeline reference for scband-reg-l1-loss-14207751815397 (READ-ONLY COPY).

The authoritative reference and input builder live on the scoring server;
editing this copy changes nothing except your own understanding.
"""

import jax, jax.numpy as jnp
import numpy as np


def setup_inputs(seed: int = 0) -> dict:
    key = jax.random.key(seed)
    k1, k2, k3 = jax.random.split(key, 3)
    out_vector = jax.random.normal(k1, (2, 2, 128, 128), dtype=jnp.float32)
    target_vector = jax.random.normal(k2, (2, 1, 500, 2), dtype=jnp.float32)
    tgt_indexes = jax.random.randint(k3, (2, 1, 500), 0, 128 * 128, dtype=jnp.int32)
    return {"out_vector": out_vector, "target_vector": target_vector, "tgt_indexes": tgt_indexes}


def reference(out_vector, target_vector, tgt_indexes):
    # _transpose_and_gather_feat
    b, c, h, w = out_vector.shape
    feat = jnp.transpose(out_vector, (0, 2, 3, 1)).reshape(b, h * w, c)  # (b, HW, c)
    # _gather_feat (faithful to torch, including the expand semantics that
    # require b == c): ind.squeeze(1) -> (b, k); expand(b, c, k) right-aligns,
    # so ind_exp[a, d, j] = ind[d, j]
    ind = jnp.squeeze(tgt_indexes, axis=1)  # (b, k)
    k = ind.shape[1]
    ind_exp = jnp.broadcast_to(ind, (b, c, k)).astype(jnp.int32)
    feat_p = jnp.transpose(feat, (0, 2, 1))  # (b, c, HW)
    gathered = jnp.take_along_axis(feat_p, ind_exp, axis=2)  # (b, c, k)
    pred = jnp.transpose(gathered, (0, 2, 1))  # (b, k, c)
    tgt = jnp.squeeze(target_vector, axis=1)  # (b, k, c)
    loss = jnp.sum(jnp.abs(pred - tgt))
    loss = loss / (pred.shape[1] + 0.0001)
    return loss

if __name__ == "__main__":
    import jax
    _d = setup_inputs()
    print(jax.jit(kernel)(*tuple(_d.values())))

</pallas_src>

<mosaic_0001>
#map = affine_map<(d0, d1) -> (0)>
module attributes {stable_mosaic.version = 14 : i64} {
  func.func @_sc_body(%arg0: i32, %arg1: i32, %arg2: memref<2048xi32, #tpu.memory_space<hbm>>, %arg3: memref<2048xf32, #tpu.memory_space<hbm>>, %arg4: memref<65536xf32, #tpu.memory_space<hbm>>, %arg5: memref<16xf32, #tpu.memory_space<hbm>>, %arg6: memref<128xi32, #tpu.memory_space<vmem>>, %arg7: memref<128xf32, #tpu.memory_space<vmem>>, %arg8: memref<128xf32, #tpu.memory_space<vmem>>, %arg9: memref<16xf32, #tpu.memory_space<vmem>>, %arg10: memref<16xf32, #tpu.memory_space<vmem>>, %arg11: memref<16xf32, #tpu.memory_space<vmem>>, %arg12: memref<16xf32, #tpu.memory_space<vmem_shared>>, %arg13: memref<!tpu.dma_semaphore, #tpu.memory_space<semaphore_mem>>, %arg14: memref<!tpu.dma_semaphore, #tpu.memory_space<semaphore_mem>>) attributes {dimension_semantics = [#tpu.dimension_semantics<core_parallel>, #tpu.dimension_semantics<subcore_parallel>], iteration_bounds = array<i64: 1, 16>, scalar_prefetch = 0 : i64, scratch_operands = 9 : i64, tpu.core_type = #tpu.core_type<sc_vector_subcore>, window_params = [{transform_indices = #map}, {transform_indices = #map}, {transform_indices = #map}, {transform_indices = #map}]} {
    %mul3A = arith.constant 128 : i32
    %mul3A_0 = arith.muli %arg1, %mul3A : i32
    %iota3A = tpu.iota {dimensions = array<i32: 0>} : vector<16xi32>
    %eq3A = arith.constant 0 : i32
    %eq3A_1 = arith.cmpi eq, %arg1, %eq3A : i32
    %convert_element_type3A = arith.extui %eq3A_1 : i1 to i32
    %cond3A = arith.constant 0 : i32
    %cond3A_2 = arith.cmpi ne, %convert_element_type3A, %cond3A : i32
    scf.if %cond3A_2 {
      %broadcast_in_dim3A_172 = arith.constant 0.000000e+00 : f32
      %broadcast_in_dim3A_173 = vector.broadcast %broadcast_in_dim3A_172 : f32 to vector<16xf32>
      %swap3A_174 = arith.constant 0 : index
      %swap3A_175 = tpu.vector_load %arg11[%swap3A_174] {strides = array<i32>} : memref<16xf32, #tpu.memory_space<vmem>>, vector<16xf32>,
      %swap3A_176 = vector.shape_cast %swap3A_175 : vector<16xf32> to vector<16xf32>
      %swap3A_177 = vector.shape_cast %broadcast_in_dim3A_173 : vector<16xf32> to vector<16xf32>
      tpu.vector_store %arg11[%swap3A_174], %swap3A_177 {strides = array<i32>} : memref<16xf32, #tpu.memory_space<vmem>>, vector<16xf32>,
      "tpu.region"() ({
        %run_scoped3A = tpu.sem_alloc : memref<!tpu.dma_semaphore, #tpu.memory_space<semaphore_mem>>
        tpu.enqueue_dma source(%arg11 : memref<16xf32, #tpu.memory_space<vmem>>) target(%arg12 : memref<16xf32, #tpu.memory_space<vmem_shared>>) target_semaphore(%run_scoped3A : memref<!tpu.dma_semaphore, #tpu.memory_space<semaphore_mem>>)
        tpu.wait_dma2 semaphore(%run_scoped3A : memref<!tpu.dma_semaphore, #tpu.memory_space<semaphore_mem>>) src(%arg11 : memref<16xf32, #tpu.memory_space<vmem>>) dst(%arg12 : memref<16xf32, #tpu.memory_space<vmem_shared>>)
        tpu.yield
      }) : () -> ()
    } else {
    }
    %dma_start3A = tpu.memref_slice %arg3[%mul3A_0] : memref<2048xf32, #tpu.memory_space<hbm>> -> memref<128xf32, #tpu.memory_space<hbm>>
    %dma_start3A_3 = tpu.memref_slice %arg3[%mul3A_0] : memref<2048xf32, #tpu.memory_space<hbm>> -> memref<128xf32, #tpu.memory_space<hbm>>
    tpu.enqueue_dma source(%dma_start3A_3 : memref<128xf32, #tpu.memory_space<hbm>>) target(%arg7 : memref<128xf32, #tpu.memory_space<vmem>>) target_semaphore(%arg14 : memref<!tpu.dma_semaphore, #tpu.memory_space<semaphore_mem>>)
    "tpu.region"() ({
      %run_scoped3A = tpu.sem_alloc : memref<!tpu.dma_semaphore, #tpu.memory_space<semaphore_mem>>
      %dma_start3A_172 = tpu.memref_slice %arg2[%mul3A_0] : memref<2048xi32, #tpu.memory_space<hbm>> -> memref<128xi32, #tpu.memory_space<hbm>>
      %dma_start3A_173 = tpu.memref_slice %arg2[%mul3A_0] : memref<2048xi32, #tpu.memory_space<hbm>> -> memref<128xi32, #tpu.memory_space<hbm>>
      tpu.enqueue_dma source(%dma_start3A_173 : memref<128xi32, #tpu.memory_space<hbm>>) target(%arg6 : memref<128xi32, #tpu.memory_space<vmem>>) target_semaphore(%run_scoped3A : memref<!tpu.dma_semaphore, #tpu.memory_space<semaphore_mem>>)
      %dma_wait3A_174 = tpu.memref_slice %arg2[%mul3A_0] : memref<2048xi32, #tpu.memory_space<hbm>> -> memref<128xi32, #tpu.memory_space<hbm>>
      %dma_wait3A_175 = tpu.memref_slice %arg2[%mul3A_0] : memref<2048xi32, #tpu.memory_space<hbm>> -> memref<128xi32, #tpu.memory_space<hbm>>
      tpu.wait_dma2 semaphore(%run_scoped3A : memref<!tpu.dma_semaphore, #tpu.memory_space<semaphore_mem>>) src(%dma_wait3A_175 : memref<128xi32, #tpu.memory_space<hbm>>) dst(%arg6 : memref<128xi32, #tpu.memory_space<vmem>>)
      tpu.yield
    }) : () -> ()
    %dma_start3A_4 = arith.constant 0 : i32
    %dma_start3A_5 = tpu.memref_slice %arg4[%dma_start3A_4] : memref<65536xf32, #tpu.memory_space<hbm>> -> memref<65536xf32, #tpu.memory_space<hbm>>
    tpu.enqueue_indirect_dma source(%dma_start3A_5 : memref<65536xf32, #tpu.memory_space<hbm>>) target(%arg8 : memref<128xf32, #tpu.memory_space<vmem>>) offsets(%arg6 : memref<128xi32, #tpu.memory_space<vmem>>) semaphore(%arg13 : memref<!tpu.dma_semaphore, #tpu.memory_space<semaphore_mem>>)
    %dma_wait3A = tpu.memref_slice %arg3[%mul3A_0] : memref<2048xf32, #tpu.memory_space<hbm>> -> memref<128xf32, #tpu.memory_space<hbm>>
    %dma_wait3A_6 = tpu.memref_slice %arg3[%mul3A_0] : memref<2048xf32, #tpu.memory_space<hbm>> -> memref<128xf32, #tpu.memory_space<hbm>>
    tpu.wait_dma2 semaphore(%arg14 : memref<!tpu.dma_semaphore, #tpu.memory_space<semaphore_mem>>) src(%dma_wait3A_6 : memref<128xf32, #tpu.memory_space<hbm>>) dst(%arg7 : memref<128xf32, #tpu.memory_space<vmem>>)
    %dma_wait3A_7 = arith.constant 0 : i32
    %dma_wait3A_8 = tpu.memref_slice %arg4[%dma_wait3A_7] : memref<65536xf32, #tpu.memory_space<hbm>> -> memref<65536xf32, #tpu.memory_space<hbm>>
    tpu.wait_indirect_dma semaphore(%arg13 : memref<!tpu.dma_semaphore, #tpu.memory_space<semaphore_mem>>) src(%dma_wait3A_8 : memref<65536xf32, #tpu.memory_space<hbm>>) dst(%arg8 : memref<128xf32, #tpu.memory_space<vmem>>)
    %broadcast_in_dim3A = arith.constant 0.000000e+00 : f32
    %broadcast_in_dim3A_9 = vector.broadcast %broadcast_in_dim3A : f32 to vector<16xf32>
    %get3A = arith.constant 0 : index
    %get3A_10 = tpu.vector_load %arg8[%get3A] {strides = array<i32>} : memref<128xf32, #tpu.memory_space<vmem>>, vector<16xf32>,
    %get3A_11 = vector.shape_cast %get3A_10 : vector<16xf32> to vector<16xf32>
    %get3A_12 = arith.constant 0 : index
    %get3A_13 = tpu.vector_load %arg7[%get3A_12] {strides = array<i32>} : memref<128xf32, #tpu.memory_space<vmem>>, vector<16xf32>,
    %get3A_14 = vector.shape_cast %get3A_13 : vector<16xf32> to vector<16xf32>
    %add3A = vector.broadcast %mul3A_0 : i32 to vector<16xi32>
    %add3A_15 = arith.addi %add3A, %iota3A : vector<16xi32>
    %add3A_16 = arith.constant 0 : i32
    %add3A_17 = vector.broadcast %add3A_16 : i32 to vector<16xi32>
    %add3A_18 = arith.addi %add3A_15, %add3A_17 : vector<16xi32>
    %lt3A = arith.constant 2000 : i32
    %lt3A_19 = vector.broadcast %lt3A : i32 to vector<16xi32>
    %lt3A_20 = arith.cmpi slt, %add3A_18, %lt3A_19 : vector<16xi32>
    %sub3A = arith.subf %get3A_11, %get3A_14 : vector<16xf32>
    %abs3A = math.absf %sub3A : vector<16xf32>
    %jit3A = arith.constant 0.000000e+00 : f32
    %broadcast_in_dim3A_21 = vector.broadcast %jit3A : f32 to vector<16xf32>
    %select_n3A = arith.select %lt3A_20, %abs3A, %broadcast_in_dim3A_21 : vector<16xi1>, vector<16xf32>
    %add3A_22 = arith.addf %broadcast_in_dim3A_9, %select_n3A : vector<16xf32>
    %get3A_23 = arith.constant 16 : index
    %get3A_24 = tpu.vector_load %arg8[%get3A_23] {strides = array<i32>} : memref<128xf32, #tpu.memory_space<vmem>>, vector<16xf32>,
    %get3A_25 = vector.shape_cast %get3A_24 : vector<16xf32> to vector<16xf32>
    %get3A_26 = arith.constant 16 : index
    %get3A_27 = tpu.vector_load %arg7[%get3A_26] {strides = array<i32>} : memref<128xf32, #tpu.memory_space<vmem>>, vector<16xf32>,
    %get3A_28 = vector.shape_cast %get3A_27 : vector<16xf32> to vector<16xf32>
    %add3A_29 = vector.broadcast %mul3A_0 : i32 to vector<16xi32>
    %add3A_30 = arith.addi %add3A_29, %iota3A : vector<16xi32>
    %add3A_31 = arith.constant 16 : i32
    %add3A_32 = vector.broadcast %add3A_31 : i32 to vector<16xi32>
    %add3A_33 = arith.addi %add3A_30, %add3A_32 : vector<16xi32>
    %lt3A_34 = arith.constant 2000 : i32
    %lt3A_35 = vector.broadcast %lt3A_34 : i32 to vector<16xi32>
    %lt3A_36 = arith.cmpi slt, %add3A_33, %lt3A_35 : vector<16xi32>
    %sub3A_37 = arith.subf %get3A_25, %get3A_28 : vector<16xf32>
    %abs3A_38 = math.absf %sub3A_37 : vector<16xf32>
    %jit3A_39 = arith.constant 0.000000e+00 : f32
    %broadcast_in_dim3A_40 = vector.broadcast %jit3A_39 : f32 to vector<16xf32>
    %select_n3A_41 = arith.select %lt3A_36, %abs3A_38, %broadcast_in_dim3A_40 : vector<16xi1>, vector<16xf32>
    %add3A_42 = arith.addf %add3A_22, %select_n3A_41 : vector<16xf32>
    %get3A_43 = arith.constant 32 : index
    %get3A_44 = tpu.vector_load %arg8[%get3A_43] {strides = array<i32>} : memref<128xf32, #tpu.memory_space<vmem>>, vector<16xf32>,
    %get3A_45 = vector.shape_cast %get3A_44 : vector<16xf32> to vector<16xf32>
    %get3A_46 = arith.constant 32 : index
    %get3A_47 = tpu.vector_load %arg7[%get3A_46] {strides = array<i32>} : memref<128xf32, #tpu.memory_space<vmem>>, vector<16xf32>,
    %get3A_48 = vector.shape_cast %get3A_47 : vector<16xf32> to vector<16xf32>
    %add3A_49 = vector.broadcast %mul3A_0 : i32 to vector<16xi32>
    %add3A_50 = arith.addi %add3A_49, %iota3A : vector<16xi32>
    %add3A_51 = arith.constant 32 : i32
    %add3A_52 = vector.broadcast %add3A_51 : i32 to vector<16xi32>
    %add3A_53 = arith.addi %add3A_50, %add3A_52 : vector<16xi32>
    %lt3A_54 = arith.constant 2000 : i32
    %lt3A_55 = vector.broadcast %lt3A_54 : i32 to vector<16xi32>
    %lt3A_56 = arith.cmpi slt, %add3A_53, %lt3A_55 : vector<16xi32>
    %sub3A_57 = arith.subf %get3A_45, %get3A_48 : vector<16xf32>
    %abs3A_58 = math.absf %sub3A_57 : vector<16xf32>
    %jit3A_59 = arith.constant 0.000000e+00 : f32
    %broadcast_in_dim3A_60 = vector.broadcast %jit3A_59 : f32 to vector<16xf32>
    %select_n3A_61 = arith.select %lt3A_56, %abs3A_58, %broadcast_in_dim3A_60 : vector<16xi1>, vector<16xf32>
    %add3A_62 = arith.addf %add3A_42, %select_n3A_61 : vector<16xf32>
    %get3A_63 = arith.constant 48 : index
    %get3A_64 = tpu.vector_load %arg8[%get3A_63] {strides = array<i32>} : memref<128xf32, #tpu.memory_space<vmem>>, vector<16xf32>,
    %get3A_65 = vector.shape_cast %get3A_64 : vector<16xf32> to vector<16xf32>
    %get3A_66 = arith.constant 48 : index
    %get3A_67 = tpu.vector_load %arg7[%get3A_66] {strides = array<i32>} : memref<128xf32, #tpu.memory_space<vmem>>, vector<16xf32>,
    %get3A_68 = vector.shape_cast %get3A_67 : vector<16xf32> to vector<16xf32>
    %add3A_69 = vector.broadcast %mul3A_0 : i32 to vector<16xi32>
    %add3A_70 = arith.addi %add3A_69, %iota3A : vector<16xi32>
    %add3A_71 = arith.constant 48 : i32
    %add3A_72 = vector.broadcast %add3A_71 : i32 to vector<16xi32>
    %add3A_73 = arith.addi %add3A_70, %add3A_72 : vector<16xi32>
    %lt3A_74 = arith.constant 2000 : i32
    %lt3A_75 = vector.broadcast %lt3A_74 : i32 to vector<16xi32>
    %lt3A_76 = arith.cmpi slt, %add3A_73, %lt3A_75 : vector<16xi32>
    %sub3A_77 = arith.subf %get3A_65, %get3A_68 : vector<16xf32>
    %abs3A_78 = math.absf %sub3A_77 : vector<16xf32>
    %jit3A_79 = arith.constant 0.000000e+00 : f32
    %broadcast_in_dim3A_80 = vector.broadcast %jit3A_79 : f32 to vector<16xf32>
    %select_n3A_81 = arith.select %lt3A_76, %abs3A_78, %broadcast_in_dim3A_80 : vector<16xi1>, vector<16xf32>
    %add3A_82 = arith.addf %add3A_62, %select_n3A_81 : vector<16xf32>
    %get3A_83 = arith.constant 64 : index
    %get3A_84 = tpu.vector_load %arg8[%get3A_83] {strides = array<i32>} : memref<128xf32, #tpu.memory_space<vmem>>, vector<16xf32>,
    %get3A_85 = vector.shape_cast %get3A_84 : vector<16xf32> to vector<16xf32>
    %get3A_86 = arith.constant 64 : index
    %get3A_87 = tpu.vector_load %arg7[%get3A_86] {strides = array<i32>} : memref<128xf32, #tpu.memory_space<vmem>>, vector<16xf32>,
    %get3A_88 = vector.shape_cast %get3A_87 : vector<16xf32> to vector<16xf32>
    %add3A_89 = vector.broadcast %mul3A_0 : i32 to vector<16xi32>
    %add3A_90 = arith.addi %add3A_89, %iota3A : vector<16xi32>
    %add3A_91 = arith.constant 64 : i32
    %add3A_92 = vector.broadcast %add3A_91 : i32 to vector<16xi32>
    %add3A_93 = arith.addi %add3A_90, %add3A_92 : vector<16xi32>
    %lt3A_94 = arith.constant 2000 : i32
    %lt3A_95 = vector.broadcast %lt3A_94 : i32 to vector<16xi32>
    %lt3A_96 = arith.cmpi slt, %add3A_93, %lt3A_95 : vector<16xi32>
    %sub3A_97 = arith.subf %get3A_85, %get3A_88 : vector<16xf32>
    %abs3A_98 = math.absf %sub3A_97 : vector<16xf32>
    %jit3A_99 = arith.constant 0.000000e+00 : f32
    %broadcast_in_dim3A_100 = vector.broadcast %jit3A_99 : f32 to vector<16xf32>
    %select_n3A_101 = arith.select %lt3A_96, %abs3A_98, %broadcast_in_dim3A_100 : vector<16xi1>, vector<16xf32>
    %add3A_102 = arith.addf %add3A_82, %select_n3A_101 : vector<16xf32>
    %get3A_103 = arith.constant 80 : index
    %get3A_104 = tpu.vector_load %arg8[%get3A_103] {strides = array<i32>} : memref<128xf32, #tpu.memory_space<vmem>>, vector<16xf32>,
    %get3A_105 = vector.shape_cast %get3A_104 : vector<16xf32> to vector<16xf32>
    %get3A_106 = arith.constant 80 : index
    %get3A_107 = tpu.vector_load %arg7[%get3A_106] {strides = array<i32>} : memref<128xf32, #tpu.memory_space<vmem>>, vector<16xf32>,
    %get3A_108 = vector.shape_cast %get3A_107 : vector<16xf32> to vector<16xf32>
    %add3A_109 = vector.broadcast %mul3A_0 : i32 to vector<16xi32>
    %add3A_110 = arith.addi %add3A_109, %iota3A : vector<16xi32>
    %add3A_111 = arith.constant 80 : i32
    %add3A_112 = vector.broadcast %add3A_111 : i32 to vector<16xi32>
    %add3A_113 = arith.addi %add3A_110, %add3A_112 : vector<16xi32>
    %lt3A_114 = arith.constant 2000 : i32
    %lt3A_115 = vector.broadcast %lt3A_114 : i32 to vector<16xi32>
    %lt3A_116 = arith.cmpi slt, %add3A_113, %lt3A_115 : vector<16xi32>
    %sub3A_117 = arith.subf %get3A_105, %get3A_108 : vector<16xf32>
    %abs3A_118 = math.absf %sub3A_117 : vector<16xf32>
    %jit3A_119 = arith.constant 0.000000e+00 : f32
    %broadcast_in_dim3A_120 = vector.broadcast %jit3A_119 : f32 to vector<16xf32>
    %select_n3A_121 = arith.select %lt3A_116, %abs3A_118, %broadcast_in_dim3A_120 : vector<16xi1>, vector<16xf32>
    %add3A_122 = arith.addf %add3A_102, %select_n3A_121 : vector<16xf32>
    %get3A_123 = arith.constant 96 : index
    %get3A_124 = tpu.vector_load %arg8[%get3A_123] {strides = array<i32>} : memref<128xf32, #tpu.memory_space<vmem>>, vector<16xf32>,
    %get3A_125 = vector.shape_cast %get3A_124 : vector<16xf32> to vector<16xf32>
    %get3A_126 = arith.constant 96 : index
    %get3A_127 = tpu.vector_load %arg7[%get3A_126] {strides = array<i32>} : memref<128xf32, #tpu.memory_space<vmem>>, vector<16xf32>,
    %get3A_128 = vector.shape_cast %get3A_127 : vector<16xf32> to vector<16xf32>
    %add3A_129 = vector.broadcast %mul3A_0 : i32 to vector<16xi32>
    %add3A_130 = arith.addi %add3A_129, %iota3A : vector<16xi32>
    %add3A_131 = arith.constant 96 : i32
    %add3A_132 = vector.broadcast %add3A_131 : i32 to vector<16xi32>
    %add3A_133 = arith.addi %add3A_130, %add3A_132 : vector<16xi32>
    %lt3A_134 = arith.constant 2000 : i32
    %lt3A_135 = vector.broadcast %lt3A_134 : i32 to vector<16xi32>
    %lt3A_136 = arith.cmpi slt, %add3A_133, %lt3A_135 : vector<16xi32>
    %sub3A_137 = arith.subf %get3A_125, %get3A_128 : vector<16xf32>
    %abs3A_138 = math.absf %sub3A_137 : vector<16xf32>
    %jit3A_139 = arith.constant 0.000000e+00 : f32
    %broadcast_in_dim3A_140 = vector.broadcast %jit3A_139 : f32 to vector<16xf32>
    %select_n3A_141 = arith.select %lt3A_136, %abs3A_138, %broadcast_in_dim3A_140 : vector<16xi1>, vector<16xf32>
    %add3A_142 = arith.addf %add3A_122, %select_n3A_141 : vector<16xf32>
    %get3A_143 = arith.constant 112 : index
    %get3A_144 = tpu.vector_load %arg8[%get3A_143] {strides = array<i32>} : memref<128xf32, #tpu.memory_space<vmem>>, vector<16xf32>,
    %get3A_145 = vector.shape_cast %get3A_144 : vector<16xf32> to vector<16xf32>
    %get3A_146 = arith.constant 112 : index
    %get3A_147 = tpu.vector_load %arg7[%get3A_146] {strides = array<i32>} : memref<128xf32, #tpu.memory_space<vmem>>, vector<16xf32>,
    %get3A_148 = vector.shape_cast %get3A_147 : vector<16xf32> to vector<16xf32>
    %add3A_149 = vector.broadcast %mul3A_0 : i32 to vector<16xi32>
    %add3A_150 = arith.addi %add3A_149, %iota3A : vector<16xi32>
    %add3A_151 = arith.constant 112 : i32
    %add3A_152 = vector.broadcast %add3A_151 : i32 to vector<16xi32>
    %add3A_153 = arith.addi %add3A_150, %add3A_152 : vector<16xi32>
    %lt3A_154 = arith.constant 2000 : i32
    %lt3A_155 = vector.broadcast %lt3A_154 : i32 to vector<16xi32>
    %lt3A_156 = arith.cmpi slt, %add3A_153, %lt3A_155 : vector<16xi32>
    %sub3A_157 = arith.subf %get3A_145, %get3A_148 : vector<16xf32>
    %abs3A_158 = math.absf %sub3A_157 : vector<16xf32>
    %jit3A_159 = arith.constant 0.000000e+00 : f32
    %broadcast_in_dim3A_160 = vector.broadcast %jit3A_159 : f32 to vector<16xf32>
    %select_n3A_161 = arith.select %lt3A_156, %abs3A_158, %broadcast_in_dim3A_160 : vector<16xi1>, vector<16xf32>
    %add3A_162 = arith.addf %add3A_142, %select_n3A_161 : vector<16xf32>
    %swap3A = arith.constant 0 : index
    %swap3A_163 = tpu.vector_load %arg9[%swap3A] {strides = array<i32>} : memref<16xf32, #tpu.memory_space<vmem>>, vector<16xf32>,
    %swap3A_164 = vector.shape_cast %swap3A_163 : vector<16xf32> to vector<16xf32>
    %swap3A_165 = vector.shape_cast %add3A_162 : vector<16xf32> to vector<16xf32>
    tpu.vector_store %arg9[%swap3A], %swap3A_165 {strides = array<i32>} : memref<16xf32, #tpu.memory_space<vmem>>, vector<16xf32>,
    %barrier3A = arith.constant 0 : index
    tpu.barrier barrier_id(%barrier3A)
    "tpu.region"() ({
      %run_scoped3A = tpu.sem_alloc : memref<!tpu.dma_semaphore, #tpu.memory_space<semaphore_mem>>
      %dma_start3A_172 = arith.constant 0 : i32
      %dma_start3A_173 = tpu.memref_slice %arg12[%dma_start3A_172] : memref<16xf32, #tpu.memory_space<vmem_shared>> -> memref<16xf32, #tpu.memory_space<vmem_shared>>
      tpu.enqueue_indirect_dma source(%arg9 : memref<16xf32, #tpu.memory_space<vmem>>) target(%dma_start3A_173 : memref<16xf32, #tpu.memory_space<vmem_shared>>) offsets(%iota3A : vector<16xi32>) semaphore(%run_scoped3A : memref<!tpu.dma_semaphore, #tpu.memory_space<semaphore_mem>>) {add = true}
      %dma_wait3A_174 = arith.constant 0 : i32
      %dma_wait3A_175 = tpu.memref_slice %arg12[%dma_wait3A_174] : memref<16xf32, #tpu.memory_space<vmem_shared>> -> memref<16xf32, #tpu.memory_space<vmem_shared>>
      tpu.wait_indirect_dma semaphore(%run_scoped3A : memref<!tpu.dma_semaphore, #tpu.memory_space<semaphore_mem>>) src(%arg9 : memref<16xf32, #tpu.memory_space<vmem>>) dst(%dma_wait3A_175 : memref<16xf32, #tpu.memory_space<vmem_shared>>)
      tpu.yield
    }) : () -> ()
    %barrier3A_166 = arith.constant 0 : index
    tpu.barrier barrier_id(%barrier3A_166)
    %eq3A_167 = arith.constant 0 : i32
    %eq3A_168 = arith.cmpi eq, %arg1, %eq3A_167 : i32
    %convert_element_type3A_169 = arith.extui %eq3A_168 : i1 to i32
    %cond3A_170 = arith.constant 0 : i32
    %cond3A_171 = arith.cmpi ne, %convert_element_type3A_169, %cond3A_170 : i32
    scf.if %cond3A_171 {
      "tpu.region"() ({
        %run_scoped3A = tpu.sem_alloc : memref<!tpu.dma_semaphore, #tpu.memory_space<semaphore_mem>>
        tpu.enqueue_dma source(%arg12 : memref<16xf32, #tpu.memory_space<vmem_shared>>) target(%arg11 : memref<16xf32, #tpu.memory_space<vmem>>) target_semaphore(%run_scoped3A : memref<!tpu.dma_semaphore, #tpu.memory_space<semaphore_mem>>)
        tpu.wait_dma2 semaphore(%run_scoped3A : memref<!tpu.dma_semaphore, #tpu.memory_space<semaphore_mem>>) src(%arg12 : memref<16xf32, #tpu.memory_space<vmem_shared>>) dst(%arg11 : memref<16xf32, #tpu.memory_space<vmem>>)
        tpu.yield
      }) : () -> ()
      %get3A_172 = arith.constant 0 : index
      %get3A_173 = tpu.vector_load %arg11[%get3A_172] {strides = array<i32>} : memref<16xf32, #tpu.memory_space<vmem>>, vector<16xf32>,
      %get3A_174 = vector.shape_cast %get3A_173 : vector<16xf32> to vector<16xf32>
      %slice3A = vector.extract_strided_slice %get3A_174 {offsets = [0], sizes = [1], strides = [1]} : vector<16xf32> to vector<1xf32>
      %squeeze3A = vector.extract %slice3A[0] : f32 from vector<1xf32>
      %add3A_175 = arith.constant 0.000000e+00 : f32
      %add3A_176 = arith.addf %add3A_175, %squeeze3A : f32
      %slice3A_177 = vector.extract_strided_slice %get3A_174 {offsets = [1], sizes = [1], strides = [1]} : vector<16xf32> to vector<1xf32>
      %squeeze3A_178 = vector.extract %slice3A_177[0] : f32 from vector<1xf32>
      %add3A_179 = arith.addf %add3A_176, %squeeze3A_178 : f32
      %slice3A_180 = vector.extract_strided_slice %get3A_174 {offsets = [2], sizes = [1], strides = [1]} : vector<16xf32> to vector<1xf32>
      %squeeze3A_181 = vector.extract %slice3A_180[0] : f32 from vector<1xf32>
      %add3A_182 = arith.addf %add3A_179, %squeeze3A_181 : f32
      %slice3A_183 = vector.extract_strided_slice %get3A_174 {offsets = [3], sizes = [1], strides = [1]} : vector<16xf32> to vector<1xf32>
      %squeeze3A_184 = vector.extract %slice3A_183[0] : f32 from vector<1xf32>
      %add3A_185 = arith.addf %add3A_182, %squeeze3A_184 : f32
      %slice3A_186 = vector.extract_strided_slice %get3A_174 {offsets = [4], sizes = [1], strides = [1]} : vector<16xf32> to vector<1xf32>
      %squeeze3A_187 = vector.extract %slice3A_186[0] : f32 from vector<1xf32>
      %add3A_188 = arith.addf %add3A_185, %squeeze3A_187 : f32
      %slice3A_189 = vector.extract_strided_slice %get3A_174 {offsets = [5], sizes = [1], strides = [1]} : vector<16xf32> to vector<1xf32>
      %squeeze3A_190 = vector.extract %slice3A_189[0] : f32 from vector<1xf32>
      %add3A_191 = arith.addf %add3A_188, %squeeze3A_190 : f32
      %slice3A_192 = vector.extract_strided_slice %get3A_174 {offsets = [6], sizes = [1], strides = [1]} : vector<16xf32> to vector<1xf32>
      %squeeze3A_193 = vector.extract %slice3A_192[0] : f32 from vector<1xf32>
      %add3A_194 = arith.addf %add3A_191, %squeeze3A_193 : f32
      %slice3A_195 = vector.extract_strided_slice %get3A_174 {offsets = [7], sizes = [1], strides = [1]} : vector<16xf32> to vector<1xf32>
      %squeeze3A_196 = vector.extract %slice3A_195[0] : f32 from vector<1xf32>
      %add3A_197 = arith.addf %add3A_194, %squeeze3A_196 : f32
      %slice3A_198 = vector.extract_strided_slice %get3A_174 {offsets = [8], sizes = [1], strides = [1]} : vector<16xf32> to vector<1xf32>
      %squeeze3A_199 = vector.extract %slice3A_198[0] : f32 from vector<1xf32>
      %add3A_200 = arith.addf %add3A_197, %squeeze3A_199 : f32
      %slice3A_201 = vector.extract_strided_slice %get3A_174 {offsets = [9], sizes = [1], strides = [1]} : vector<16xf32> to vector<1xf32>
      %squeeze3A_202 = vector.extract %slice3A_201[0] : f32 from vector<1xf32>
      %add3A_203 = arith.addf %add3A_200, %squeeze3A_202 : f32
      %slice3A_204 = vector.extract_strided_slice %get3A_174 {offsets = [10], sizes = [1], strides = [1]} : vector<16xf32> to vector<1xf32>
      %squeeze3A_205 = vector.extract %slice3A_204[0] : f32 from vector<1xf32>
      %add3A_206 = arith.addf %add3A_203, %squeeze3A_205 : f32
      %slice3A_207 = vector.extract_strided_slice %get3A_174 {offsets = [11], sizes = [1], strides = [1]} : vector<16xf32> to vector<1xf32>
      %squeeze3A_208 = vector.extract %slice3A_207[0] : f32 from vector<1xf32>
      %add3A_209 = arith.addf %add3A_206, %squeeze3A_208 : f32
      %slice3A_210 = vector.extract_strided_slice %get3A_174 {offsets = [12], sizes = [1], strides = [1]} : vector<16xf32> to vector<1xf32>
      %squeeze3A_211 = vector.extract %slice3A_210[0] : f32 from vector<1xf32>
      %add3A_212 = arith.addf %add3A_209, %squeeze3A_211 : f32
      %slice3A_213 = vector.extract_strided_slice %get3A_174 {offsets = [13], sizes = [1], strides = [1]} : vector<16xf32> to vector<1xf32>
      %squeeze3A_214 = vector.extract %slice3A_213[0] : f32 from vector<1xf32>
      %add3A_215 = arith.addf %add3A_212, %squeeze3A_214 : f32
      %slice3A_216 = vector.extract_strided_slice %get3A_174 {offsets = [14], sizes = [1], strides = [1]} : vector<16xf32> to vector<1xf32>
      %squeeze3A_217 = vector.extract %slice3A_216[0] : f32 from vector<1xf32>
      %add3A_218 = arith.addf %add3A_215, %squeeze3A_217 : f32
      %slice3A_219 = vector.extract_strided_slice %get3A_174 {offsets = [15], sizes = [1], strides = [1]} : vector<16xf32> to vector<1xf32>
      %squeeze3A_220 = vector.extract %slice3A_219[0] : f32 from vector<1xf32>
      %add3A_221 = arith.addf %add3A_218, %squeeze3A_220 : f32
      %mul3A_222 = arith.constant 0.00199999963 : f32
      %mul3A_223 = arith.mulf %add3A_221, %mul3A_222 : f32
      %eq3A_224 = arith.constant 0 : i32
      %eq3A_225 = vector.broadcast %eq3A_224 : i32 to vector<16xi32>
      %eq3A_226 = arith.cmpi eq, %iota3A, %eq3A_225 : vector<16xi32>
      %jit3A_227 = arith.constant 0.000000e+00 : f32
      %broadcast_in_dim3A_228 = vector.broadcast %mul3A_223 : f32 to vector<16xf32>
      %broadcast_in_dim3A_229 = vector.broadcast %jit3A_227 : f32 to vector<16xf32>
      %select_n3A_230 = arith.select %eq3A_226, %broadcast_in_dim3A_228, %broadcast_in_dim3A_229 : vector<16xi1>, vector<16xf32>
      %swap3A_231 = arith.constant 0 : index
      %swap3A_232 = tpu.vector_load %arg10[%swap3A_231] {strides = array<i32>} : memref<16xf32, #tpu.memory_space<vmem>>, vector<16xf32>,
      %swap3A_233 = vector.shape_cast %swap3A_232 : vector<16xf32> to vector<16xf32>
      %swap3A_234 = vector.shape_cast %select_n3A_230 : vector<16xf32> to vector<16xf32>
      tpu.vector_store %arg10[%swap3A_231], %swap3A_234 {strides = array<i32>} : memref<16xf32, #tpu.memory_space<vmem>>, vector<16xf32>,
      "tpu.region"() ({
        %run_scoped3A = tpu.sem_alloc : memref<!tpu.dma_semaphore, #tpu.memory_space<semaphore_mem>>
        tpu.enqueue_dma source(%arg10 : memref<16xf32, #tpu.memory_space<vmem>>) target(%arg5 : memref<16xf32, #tpu.memory_space<hbm>>) target_semaphore(%run_scoped3A : memref<!tpu.dma_semaphore, #tpu.memory_space<semaphore_mem>>)
        tpu.wait_dma2 semaphore(%run_scoped3A : memref<!tpu.dma_semaphore, #tpu.memory_space<semaphore_mem>>) src(%arg10 : memref<16xf32, #tpu.memory_space<vmem>>) dst(%arg5 : memref<16xf32, #tpu.memory_space<hbm>>)
        tpu.yield
      }) : () -> ()
    } else {
    }
    return
  }
}

</mosaic_0001>

<sc_bundles>
// kernel: kernel.3.cloned.1.call-start
scs
__scs_entry_jumppad:
0x0: {  	(pc) =	sbr.rel $0x88, $3  }
0x1: {  	(tag) =	ssettag $0x0;
	lr =	simm.s32 $0x1  }
0x2: {  	[smem:$0x3F9E] =	sst lr;
	_ =	strace $0xD0000000  }
0x3: {  	_ = 	snop  }
0x4: {  	_ = 	snop  }
0x5: {  	_ = 	snop  }
0x6: {  	_ = 	snop  }
0x7: {  	_ = 	snop  }
__scs_overlays_trampoline_lowered:
0x8: {  	[smem:$0x3FAD] =	sst s0  }
0x9: {  	[smem:$0x3FAE] =	sst s1  }
0xa: {  	[smem:$0x3FAF] =	sst s2  }
0xb: {  	[smem:$0x3FB0] =	sst s3  }
0xc: {  	[smem:$0x3FB1] =	sst s4  }
0xd: {  	[smem:$0x3FB2] =	sst s5  }
0xe: {  	[smem:$0x3FB3] =	sst s6  }
0xf: {  	[smem:$0x3FB4] =	sst s7  }
0x10: {  	[smem:$0x3FB5] =	sst s8  }
0x11: {  	[smem:$0x3FB6] =	sst s9;
	s0 =	simm.s32 @!p0 $0x0  }
0x12: {  	s1 =	sld [smem:$0x3F9C];
	s0 =	simm.s32 @p0 $0x1  }
0x13: {  	[smem:$0x3FB7] =	sst s0;
	s0 =	simm.s32 @!p1 $0x0  }
0x14: {  	s2 =	sld [smem:$0x3F9B];
	s0 =	simm.s32 @p1 $0x1  }
0x15: {  	[smem:$0x3FB8] =	sst s0;
	s0 =	simm.s32 @!p2 $0x0  }
0x16: {  	s3 =	sld [smem:$0x3FDB];
	s0 =	simm.s32 @p2 $0x1  }
0x17: {  	s4 =	simm.s32 $0x1BF5;
	[smem:$0x3FBA] =	sst s0  }
0x18: {  	s0 =	sld [smem:$0x3F9D];
	_ =	swait.ge [sflag:s4], $0x0  }
0x19: {  	s7 =	sld [smem:$0x3F9E]  }
0x1a: {  	s8 =	sadd.s32 $0xFFFFE003, lr  }
0x1b: {  	s9 =	sadd.s32 $0xFFFFFEF7, lr;
	s5 =	simm.s32 $0xFFFFFFFF;
	p2 =	slt.u32 s8, $0xFFFFF086  }
0x1c: {  	p1 =	slt.u32 s9, $0xF7A;
	s5 =	simm.s32 @!p2 $0x0  }
0x1d: {  	s5 =	simm.s32 @p1 $0x1;
	p0 =	seq.s32 s7, s2  }
0x1e: {  	s7 =	smul.u32 @!p0 $0xF7A, s2;
	p2 =	seq.s32 @!p0 s5, $0x0  }
0x1f: {  	s9 =	smul.u32 $0xF7A, s1;
	s8 =	simm.s32 @!p0 $0x1BF5;
	p2 =	por !p2, p0  }
0x20: {  	[sflag:s8] =	ssyncset.s32 @!p0 $0xFFFFF086;
	s6 =	sadd.s32 @!p0 s3, s7;
	s7 =	simm.s32 @!p0 $0x108  }
0x21: {  	s3 =	sadd.s32 s3, s9;
	s6 =	sadd.s32 @!p0 $0x88, s6;
	s7 =	simm.s32 @p2 $0x1082  }
0x22: {  	[simem:s7], [sflag:s8] =	dma.local @!p0 [hbm:s6], $0xF7A  }
0x23: {  	s9 =	sor.u32 $0xD0000000, s2;
	s6 =	simm.s32 $0x108;
	_ =	swait.ge @!p0 [sflag:s8], $0x0  }
0x24: {  	s3 =	sadd.s32 $0x88, s3;
	s6 =	simm.s32 @!p1 $0x1082;
	[sflag:s4] =	ssyncset.s32 $0xFFFFF086  }
0x25: {  	[simem:s6], [sflag:s4] =	dma.local [hbm:s3], $0xF7A  }
0x26: {  	[smem:$0x3F9E] =	sst s1;
	(tag) =	ssettag s2;
	_ =	strace s9  }
0x27: {  	s1 =	sld [smem:$0x3FAE]  }
0x28: {  	s2 =	sld [smem:$0x3FAF]  }
0x29: {  	s4 =	sld [smem:$0x3FB1]  }
0x2a: {  	p0 =	seq.s32 s5, $0x0;
	s5 =	sld [smem:$0x3FB2]  }
0x2b: {  	s6 =	sld [smem:$0x3FB3]  }
0x2c: {  	s7 =	sld [smem:$0x3FB4]  }
0x2d: {  	s3 =	simm.s32 $0x108;
	s8 =	sld [smem:$0x3FB5]  }
0x2e: {  	s3 =	simm.s32 @!p0 $0x1082;
	s9 =	sld [smem:$0x3FB6]  }
0x2f: {  	lr =	sadd.s32 s0, s3;
	s0 =	sld [smem:$0x3FAD]  }
0x30: {  	s3 =	sld [smem:$0x3FB0]  }
0x31: {  	[smem:$0x3FB9] =	sst s10  }
0x32: {  	s10 =	sld [smem:$0x3FB7];
	_ =	sdelay $0x3  }
0x33: {  	p0 =	seq.s32 s10, $0x1;
	s10 =	sld [smem:$0x3FB9];
	_ =	sdelay $0x3  }
0x34: {  	[smem:$0x3FB9] =	sst s10  }
0x35: {  	s10 =	sld [smem:$0x3FB8];
	_ =	sdelay $0x3  }
0x36: {  	p1 =	seq.s32 s10, $0x1;
	s10 =	sld [smem:$0x3FB9];
	_ =	sdelay $0x3  }
0x37: {  	[smem:$0x3FB9] =	sst s10  }
0x38: {  	s10 =	sld [smem:$0x3FBA]  }
0x39: {  	_ = 	snop;
	(pc) =	sbr.ind lr, $3  }
0x3a: {  	_ = 	snop  }
0x3b: {  	_ = 	snop  }
0x3c: {  	p2 =	seq.s32 s10, $0x1;
	s10 =	sld [smem:$0x3FB9]  }
0x3d: {  	_ =	shalt  }
0x3e: {  	_ =	shalt  }
0x3f: {  	_ =	shalt  }
0x40: {  	_ =	shalt  }
0x41: {  	_ =	shalt  }
0x42: {  	_ =	shalt  }
0x43: {  	_ =	shalt  }
0x44: {  	_ =	shalt  }
0x45: {  	_ =	shalt  }
0x46: {  	_ =	shalt  }
0x47: {  	_ =	shalt  }
0x48: {  	_ =	shalt  }
0x49: {  	_ =	shalt  }
0x4a: {  	_ =	shalt  }
0x4b: {  	_ =	shalt  }
0x4c: {  	_ =	shalt  }
0x4d: {  	_ =	shalt  }
0x4e: {  	_ =	shalt  }
0x4f: {  	_ =	shalt  }
0x50: {  	_ =	shalt  }
0x51: {  	_ =	shalt  }
0x52: {  	_ =	shalt  }
0x53: {  	_ =	shalt  }
0x54: {  	_ =	shalt  }
0x55: {  	_ =	shalt  }
0x56: {  	_ =	shalt  }
0x57: {  	_ =	shalt  }
0x58: {  	_ =	shalt  }
0x59: {  	_ =	shalt  }
0x5a: {  	_ =	shalt  }
0x5b: {  	_ =	shalt  }
0x5c: {  	_ =	shalt  }
0x5d: {  	_ =	shalt  }
0x5e: {  	_ =	shalt  }
0x5f: {  	_ =	shalt  }
0x60: {  	_ =	shalt  }
0x61: {  	_ =	shalt  }
0x62: {  	_ =	shalt  }
0x63: {  	_ =	shalt  }
0x64: {  	_ =	shalt  }
0x65: {  	_ =	shalt  }
0x66: {  	_ =	shalt  }
0x67: {  	_ =	shalt  }
0x68: {  	_ =	shalt  }
0x69: {  	_ =	shalt  }
0x6a: {  	_ =	shalt  }
0x6b: {  	_ =	shalt  }
0x6c: {  	_ =	shalt  }
0x6d: {  	_ =	shalt  }
0x6e: {  	_ =	shalt  }
0x6f: {  	_ =	shalt  }
0x70: {  	_ =	shalt  }
0x71: {  	_ =	shalt  }
0x72: {  	_ =	shalt  }
0x73: {  	_ =	shalt  }
0x74: {  	_ =	shalt  }
0x75: {  	_ =	shalt  }
0x76: {  	_ =	shalt  }
0x77: {  	_ =	shalt  }
0x78: {  	_ =	shalt  }
0x79: {  	_ =	shalt  }
0x7a: {  	_ =	shalt  }
0x7b: {  	_ =	shalt  }
0x7c: {  	_ =	shalt  }
0x7d: {  	_ =	shalt  }
0x7e: {  	_ =	shalt  }
0x7f: {  	_ =	shalt  }
0x80: {  	_ =	shalt  }
0x81: {  	_ =	shalt  }
0x82: {  	_ =	shalt  }
0x83: {  	_ =	shalt  }
0x84: {  	_ =	shalt  }
0x85: {  	_ =	shalt  }
0x86: {  	_ =	shalt  }
0x87: {  	_ =	shalt  }
.Lfunc_end0:
.L_simem_size_0:
called_computation_lowered:
.L_overlay_start_0:
0x88: {  	s0 =	sld [smem:$0x3FD9]  }
0x89: {  	s1 =	sld [smem:$0x3FFE];
	_ =	sdelay $0x3  }
0x8a: {  	s0 =	sadd.s32 s1, s0  }
0x8b: {  	[smem:$0x3FC5] =	sst s0  }
0x8c: {  	_ = 	snop  }
0x8d: {  	s0 =	sld [smem:$0x3FC9]  }
0x8e: {  	s16 =	sld [smem:$0x3FD0];
	(tm) =	ssettm $0x1  }
0x8f: {  	s2 =	sld [smem:$0x3FFB];
	_ =	sdelay $0x3  }
0x90: {  	_ =	strace s2  }
0x91: {  	s2 =	sld [smem:$0x3FFC];
	_ =	sdelay $0x3  }
0x92: {  	_ =	strace s2  }
0x93: {  	s2 =	sld [smem:$0x3FFD];
	_ =	sdelay $0x3  }
0x94: {  	_ =	strace s2  }
0x95: {  	_ =	strace $0x8FFFFFFF  }
0x96: {  	s17 =	sld [smem:$0x3FDB];
	_ =	sdelay $0x1  }
0x97: {  	s3 =	simm.s32 $_scs_section_size  }
0x98: {  	s4 =	simm.s32 $_size__tile_overlayer_lowered;
	s5 =	simm.s32 $_tile_overlayer_lowered  }
0x99: {  	s20 =	simm.s32 $0x1BFF;
	s19 =	sshll.u32 s5, $0x1;
	s2 =	sadd.s32 s3, s17  }
0x9a: {  	s6 =	simm.s32 $0x0;
	s18 =	sshll.u32 s4, $0x1;
	s4 =	sadd.s32 s19, s2  }
0x9b: {  	[timem:s6], [sflag:s20] =	dma.local [hbm:s4], s18  }
0x9c: {  	_ =	swait.ge [sflag:s20], s18  }
0x9d: {  	s3 =	ssub.s32 $0x0, s18;
	[sflag:s20] =	ssyncset.done $0x0  }
0x9e: {  	[sflag:s20] =	ssyncadd.s32 s3;
	_ =	sdelay $0x1  }
0x9f: {  	s21 =	simm.s32 $0x1B8B  }
0xa0: {  	_ =	swait.ge [sflag:s21], $0x1  }
0xa1: {  	[sflag:s21] =	ssyncset.done $0x0  }
0xa2: {  	s23 =	simm.s32 $0x1B8E;
	s22 =	sld [smem:$0x3FFE];
	[sflag:s21] =	ssyncadd.s32 $0xFFFFFFFF  }
0xa3: {  	s24 =	simm.s32 $execute0_lowered;
	[smem:$0x3FD2] =	sst s23  }
0xa4: {  	s4 =	sshll.u32 s24, $0x1;
	_ =	strace $0x80000046;
	[dreg:$0x1] =	wrdreg $0xFFFFFFFF  }
0xa5: {  	s25 =	simm.s32 $_size_execute0_lowered;
	s2 =	sadd.s32 s2, s4;
	[dreg:$0x0] =	wrdreg $0x0  }
0xa6: {  	s4 =	sshll.u32 s25, $0x1;
	[dreg:$0x2] =	wrdreg s2  }
0xa7: {  	[dreg:$0x3] =	wrdreg s4  }
0xa8: {  	[dreg:$0x4] =	wrdreg $0xC0  }
0xa9: {  	_ =	task [dreg:s6], $0x5FFFF  }
0xaa: {  	[dreg:$0x1] =	wrdreg $0xFFFFFFFF  }
0xab: {  	[dreg:$0x0] =	wrdreg $0x60  }
0xac: {  	[dreg:$0x2] =	wrdreg s22  }
0xad: {  	[dreg:$0x3] =	wrdreg s0  }
0xae: {  	[dreg:$0x4] =	wrdreg s16  }
0xaf: {  	[dreg:$0x5] =	wrdreg $0x3000  }
0xb0: {  	[dreg:$0x6] =	wrdreg $0x9  }
0xb1: {  	_ =	task.clear_ibuf [dreg:s6], $0x7FFFF;
	_ =	strace $0x90000046  }
0xb2: {  	s26 =	simm.s32 $0x9;
	_ =	strace $0x80000048  }
0xb3: {  	_ =	swait.ge [sflag:s26], $0x1  }
0xb4: {  	[sflag:s26] =	ssyncadd.s32 $0xFFFFFFFF  }
0xb5: {  	_ =	strace $0x90000048  }
0xb6: {  	_ =	sfence  }
0xb7: {  	s28 =	sld [smem:$0x0];
	_ =	sdelay $0x1  }
0xb8: {  	s29 =	srdreg.scid  }
0xb9: {  	s30 =	sshll.u32 s29, $0xD;
	s31 =	sshrl.u32 s29, $0x2  }
0xba: {  	s1 =	sand.u32 $0x1, s29;
	s2 =	sand.u32 $0x4000, s30;
	s0 =	sadd.s32 s31, s28  }
0xbb: {  	s1 =	sor.u32 s2, s1;
	s0 =	sshll.u32 s0, $0x11  }
0xbc: {  	s0 =	sor.u32 s0, s1  }
0xbd: {  	s0 =	sadd.s32 $0x8F2B, s0  }
0xbe: {  	[sflag:s0] =	ssyncadd.remote.s32 $0x1  }
0xbf: {  	_ =	sfence.sel $0xFFFF  }
0xc0: {  	[dreg:$0x0] =	wrdreg $0xFFFFFFFF;
	(pc) =	sbr.abs _section_cstart, $3  }
0xc1: {  	[dreg:$0x1] =	wrdreg $0xFFFFFFFF  }
0xc2: {  	_ =	task.clear_ibuf [dreg:s6], $0x2FFFF;
	_ =	strace $0x9FFFFFFF  }
0xc3: {  	(tm) =	ssettm $0x7FFFFFFF  }
tec
execute0_lowered:
.L_overlay_start_1:
0x0: {  	(tag) =	ssettag $0x1  }
0x1: {  	s3 =	rddreg [dreg:$0x0]  }
0x2: {  	s5 =	rddreg [dreg:$0x1]  }
0x3: {  	s1 =	rddreg [dreg:$0x2];
	s6 =	stileid.u32  }
0x4: {  	s4 =	rddreg [dreg:$0x3];
	s2 =	simm.s32 $0x0;
	p0 =	sne.s32 s6, $0x0  }
0x5: {  	[smem:$0x7FF] =	sst s2;
	v0 =	vimm.f32 @!p0 $0.0e+00  }
0x6: {  	s0 =	rddreg [dreg:$0x4];
	_ =	strace $0x80000047;
	s7 =	simm.s32 @!p0 $0x280;
	[tilespmem:$0x280] =	vst @!p0 v0  }
0x7: {  	[spmem:s4] =	stream.linear.scatter @!p0 [tilespmem:s7], [sflag:$0x3], $0x80, $0x38;
	[tilespmem:$0x308] =	vst v63  }
0x8: {  	s7 =	simm.s32 @!p0 $0x3  }
0x9: {  	s8 =	sshll.u32 s6, $0x4;
	_ =	swait.ge @!p0 [sflag:s7], $0x80  }
0xa: {  	s3 =	sadd.s32 s8, s3;
	[sflag:s7] =	ssyncset.done @!p0 $0x0  }
0xb: {  	s25 =	simm.s32 $0x80;
	s8 =	sadd.s32 $0xA00, s3;
	[sflag:s7] =	ssyncadd.s32 @!p0 $0xFFFFFF80  }
0xc: {  	[tilespmem:s25], [sflag:$0x2] =	stream.linear.gather [hbm4b:s8+s2], $0x80, $0x38;
	[tilespmem:$0x308] =	vst v63  }
0xd: {  	s3 =	sadd.s32 $0xC00, s3  }
0xe: {  	[tilespmem:s2], [sflag:$0x3] =	stream.linear.gather [hbm4b:s3+s2], $0x80, $0x38;
	[tilespmem:$0x308] =	vst v63  }
0xf: {  	s3 =	simm.s32 $0x3  }
0x10: {  	_ =	swait.ge [sflag:s3], $0x80  }
0x11: {  	[sflag:s3] =	ssyncset.done $0x0  }
0x12: {  	s26 =	simm.s32 $0x100;
	s28 =	simm.s32 $0x2;
	[sflag:s3] =	ssyncadd.s32 $0xFFFFFF80  }
0x13: {  	[tilespmem:s26], [sflag:$0x1] =	stream.indirect.gather [hbm4b:s5+s25], $0x1, s2, s25, $0xb8;
	[tilespmem:$0x308] =	vst v63  }
0x14: {  	_ =	swait.ge [sflag:s28], $0x80  }
0x15: {  	[sflag:s28] =	ssyncset.done $0x0  }
0x16: {  	s29 =	simm.s32 $0x1;
	[sflag:s28] =	ssyncadd.s32 $0xFFFFFF80  }
0x17: {  	_ =	swait.ge [sflag:s29], $0x80  }
0x18: {  	[sflag:s29] =	ssyncset.done $0x0  }
0x19: {  	[sflag:s29] =	ssyncadd.s32 $0xFFFFFF80  }
0x1a: {  	v49 =	vld [tilespmem:$0x100]  }
0x1b: {  	v1 =	vld [tilespmem:$0x80]  }
0x1c: {  	v2 =	vld [tilespmem:$0x110]  }
0x1d: {  	v3 =	vld [tilespmem:$0x90]  }
0x1e: {  	v4 =	vld [tilespmem:$0x120]  }
0x1f: {  	v5 =	vld [tilespmem:$0xA0]  }
0x20: {  	v6 =	vld [tilespmem:$0x130]  }
0x21: {  	v7 =	vld [tilespmem:$0xB0]  }
0x22: {  	v51 =	vld [tilespmem:$0x140]  }
0x23: {  	v52 =	vld [tilespmem:$0xC0];
	v0 =	vsub.f32 v49, v1;
	v50 =	vsub.f32 v2, v3  }
0x24: {  	v53 =	vld [tilespmem:$0x150]  }
0x25: {  	v54 =	vld [tilespmem:$0xD0];
	v4 =	vsub.f32 v4, v5;
	v0 =	vand.u32 $0x7FFFFFFF, v0;
	v1 =	vand.u32 $0x7FFFFFFF, v50  }
0x26: {  	v55 =	vld [tilespmem:$0x160];
	v0 =	vadd.f32 v1, v0  }
0x27: {  	v8 =	vlaneseq.u32;
	v56 =	vld [tilespmem:$0xE0];
	v6 =	vsub.f32 v6, v7;
	v4 =	vand.u32 $0x7FFFFFFF, v4  }
0x28: {  	s30 =	sshll.u32 s6, $0x7;
	v9 =	vmul.u32 $0xFFFFFFFF, v8;
	v57 =	vld [tilespmem:$0x170];
	v0 =	vadd.f32 v4, v0  }
0x29: {  	v10 =	vmov s30;
	v58 =	vld [tilespmem:$0xF0];
	v2 =	vsub.f32 v51, v52;
	v6 =	vand.u32 $0x7FFFFFFF, v6  }
0x2a: {  	v59 =	vadd.s32 $0x780, v9;
	v1 =	vsub.f32 v53, v54;
	v0 =	vadd.f32 v6, v0  }
0x2b: {  	v61 =	vadd.s32 $0x770, v9;
	vm0 =	vlt.u32 v10, v59;
	v2 =	vand.u32 $0x7FFFFFFF, v2  }
0x2c: {  	v60 =	vsub.f32 v55, v56;
	v1 =	vand.u32 $0x7FFFFFFF, v1;
	v0 =	vadd.f32 v2, v0  }
0x2d: {  	vm1 =	vlt.u32 v10, v61;
	v1 =	vnsel vm0, $0x0, v1  }
0x2e: {  	v62 =	vsub.f32 v57, v58;
	v2 =	vand.u32 $0x7FFFFFFF, v60;
	v0 =	vadd.f32 v1, v0  }
0x2f: {  	v63 =	vadd.s32 $0x760, v9;
	v2 =	vnsel vm1, $0x0, v2  }
0x30: {  	vm14 =	vlt.u32 v10, v63;
	v1 =	vand.u32 $0x7FFFFFFF, v62;
	v0 =	vadd.f32 v2, v0  }
0x31: {  	v1 =	vnsel vm14, $0x0, v1  }
0x32: {  	v0 =	vadd.f32 v1, v0;
	_ =	sdelay $0x1  }
0x33: {  	[tilespmem:$0x180] =	vst v0  }
0x34: {  	vm15 =	vmmov $0xffff;
	s31 =	simm.s32 $0x180;
	[bflag:$0x0] =	sbarrier.arrive $0xFFFF  }
0x35: {  	[spmem:s4] =	stream.indirect_vreg.scatter.add.f32 [tilespmem:s31], [sflag:$0x3], $0x1, v8, vm15, $0xb8;
	[tilespmem:$0x308] =	vst v63  }
0x36: {  	_ =	swait.ge [sflag:s3], $0x10  }
0x37: {  	[sflag:s3] =	ssyncset.done $0x0  }
0x38: {  	[sflag:s3] =	ssyncadd.s32 $0xFFFFFFF0  }
0x39: {  	[bflag:$0x0] =	sbarrier.arrive $0xFFFF  }
0x3a: {  	_ =	sfence.sel @p0 $0x180000  }
0x3b: {  	[bflag:$0x0] =	sbarrier.arrive @p0 $0xFFFF  }
0x3c: {  	_ =	strace @p0 $0x90000047  }
0x3d: {  	[bflag:$0x2] =	sbarrier.arrive @p0 $0xFFFF  }
0x3e: {  	_ =	shalt @p0  }
.LBB2_1:
0x3f: {  	s5 =	simm.s32 $0x280  }
0x40: {  	[tilespmem:s5], [sflag:$0x3] =	stream.linear.gather [spmem:s4], $0x80, $0x38;
	[tilespmem:$0x308] =	vst v63  }
0x41: {  	_ =	swait.ge [sflag:s3], $0x80  }
0x42: {  	[sflag:s3] =	ssyncset.done $0x0  }
0x43: {  	[sflag:s3] =	ssyncadd.s32 $0xFFFFFF80  }
0x44: {  	v0 =	vld [tilespmem:$0x280];
	_ =	sdelay $0x4  }
0x45: {  	(v2sf) =	vpush v0, $0x0;
	_ =	sdelay $0x1  }
0x46: {  	(v2sf) =	vpush v0, $0x1;
	_ =	sdelay $0x1  }
0x47: {  	(v2sf) =	vpush v0, $0x2;
	_ =	sdelay $0x1  }
0x48: {  	(v2sf) =	vpush v0, $0x3;
	_ =	sdelay $0x1  }
0x49: {  	(v2sf) =	vpush v0, $0x4;
	_ =	sdelay $0x1  }
0x4a: {  	(v2sf) =	vpush v0, $0x5;
	_ =	sdelay $0x1  }
0x4b: {  	(v2sf) =	vpush v0, $0x6;
	_ =	sdelay $0x1  }
0x4c: {  	(v2sf) =	vpush v0, $0x7  }
0x4d: {  	s14 =	spop (v2sf)  }
0x4e: {  	(v2sf) =	vpush v0, $0x8;
	s4 =	sadd.f32 $0.0e+00, s14  }
0x4f: {  	s15 =	spop (v2sf)  }
0x50: {  	(v2sf) =	vpush v0, $0x9;
	s4 =	sadd.f32 s4, s15  }
0x51: {  	s16 =	spop (v2sf)  }
0x52: {  	(v2sf) =	vpush v0, $0xA;
	s4 =	sadd.f32 s4, s16  }
0x53: {  	s17 =	spop (v2sf)  }
0x54: {  	(v2sf) =	vpush v0, $0xB;
	s4 =	sadd.f32 s4, s17  }
0x55: {  	s18 =	spop (v2sf)  }
0x56: {  	(v2sf) =	vpush v0, $0xC;
	s4 =	sadd.f32 s4, s18  }
0x57: {  	s19 =	spop (v2sf)  }
0x58: {  	(v2sf) =	vpush v0, $0xD;
	s4 =	sadd.f32 s4, s19  }
0x59: {  	s20 =	spop (v2sf)  }
0x5a: {  	(v2sf) =	vpush v0, $0xE;
	s4 =	sadd.f32 s4, s20  }
0x5b: {  	s21 =	spop (v2sf)  }
0x5c: {  	(v2sf) =	vpush v0, $0xF;
	s4 =	sadd.f32 s4, s21  }
0x5d: {  	s22 =	spop (v2sf)  }
0x5e: {  	s4 =	sadd.f32 s4, s22  }
0x5f: {  	s23 =	spop (v2sf)  }
0x60: {  	s4 =	sadd.f32 s4, s23  }
0x61: {  	s24 =	spop (v2sf)  }
0x62: {  	s4 =	sadd.f32 s4, s24  }
0x63: {  	s25 =	spop (v2sf)  }
0x64: {  	s4 =	sadd.f32 s4, s25  }
0x65: {  	s26 =	spop (v2sf)  }
0x66: {  	s4 =	sadd.f32 s4, s26  }
0x67: {  	s28 =	spop (v2sf)  }
0x68: {  	s4 =	sadd.f32 s4, s28  }
0x69: {  	s29 =	spop (v2sf)  }
0x6a: {  	s4 =	sadd.f32 s4, s29  }
0x6b: {  	s30 =	spop (v2sf)  }
0x6c: {  	s4 =	sadd.f32 s4, s30;
	_ =	sdelay $0x1  }
0x6d: {  	s4 =	smul.f32 $1.999999630e-03, s4;
	_ =	sdelay $0x1  }
0x6e: {  	vm0 =	vcmask $0x300;
	v63 =	vmov s4  }
0x6f: {  	v0 =	vnsel vm0, $0x0, v63  }
0x70: {  	s31 =	simm.s32 $0x200;
	[tilespmem:$0x200] =	vst v0  }
0x71: {  	[hbm4b:s1+s2] =	stream.linear.scatter [tilespmem:s31], [sflag:$0x3], $0x80, $0x38;
	[tilespmem:$0x308] =	vst v63  }
0x72: {  	_ =	swait.ge [sflag:s3], $0x80  }
0x73: {  	[sflag:s3] =	ssyncset.done $0x0  }
0x74: {  	[sflag:s3] =	ssyncadd.s32 $0xFFFFFF80  }
0x75: {  	_ =	sfence.sel $0x180000  }
0x76: {  	[bflag:$0x0] =	sbarrier.arrive $0xFFFF  }
0x77: {  	_ =	strace $0x90000047  }
0x78: {  	s0 =	sadd.s32 $0x100000, s0;
	[bflag:$0x2] =	sbarrier.arrive $0xFFFF  }
0x79: {  	[sflag:s0] =	ssyncadd.tile.s32 $0x1;
	_ =	shalt  }
.Lfunc_end2:
_tile_overlayer_lowered:
.L_overlay_start_2:
0x7a: {  	(tag) =	ssettag $0x2  }
0x7b: {  	s0 =	rddreg [dreg:$0x0];
	s2 =	stileid.u32  }
0x7c: {  	s1 =	rddreg [dreg:$0x1];
	p0 =	sne.s32 s2, $0x0  }
0x7d: {  	s3 =	rddreg [dreg:$0x2];
	[bflag:$0x3] =	sbarrier.arrive $0xFFFF;
	s2 =	simm.s32 @!p0 $0x1C03  }
0x7e: {  	[timem:s3], [sflag:s2] =	dma.local @!p0 [hbm:s0], s1  }
0x7f: {  	s0 =	simm.s32 @!p0 $0x3  }
0x80: {  	_ =	swait.ge @!p0 [sflag:s0], s1  }
0x81: {  	s1 =	ssub.s32 @!p0 $0x0, s1;
	[sflag:s0] =	ssyncset.done @!p0 $0x0  }
0x82: {  	[sflag:s0] =	ssyncadd.s32 @!p0 s1  }
0x83: {  	[bflag:$0x3] =	sbarrier.arrive $0xFFFF  }
0x84: {  	_ =	shalt  }

</sc_bundles>
